<compile_context>
chip_gen: v7x
topology: tpu7x:2x2x1
jax: 0.10.2.dev20260603
libtpu: 0.0.44.dev20260713+nightly
codegen_flags: <defaults>
</compile_context>

<pallas_src>
import functools

import jax
import jax.numpy as jnp
from jax.experimental import pallas as pl
from jax.experimental.pallas import tpu as pltpu

NUM_GROUP = 512
GROUP_SIZE = 32
IN_CH = 3
ENC_CH = 384


def _fps(xyz, n_samples):
    B, N, _ = xyz.shape
    dists0 = jnp.full((B, N), 1e10, dtype=xyz.dtype)
    far0 = jnp.zeros((B,), dtype=jnp.int32)

    def step(carry, _):
        dists, farthest = carry
        centroid = jnp.take_along_axis(xyz, farthest[:, None, None].astype(jnp.int32), axis=1)
        d = jnp.sum((xyz - centroid) ** 2, axis=-1)
        dists = jnp.minimum(dists, d)
        nxt = jnp.argmax(dists, axis=1).astype(jnp.int32)
        return (dists, nxt), farthest

    (_, _), idxs = jax.lax.scan(step, (dists0, far0), None, length=n_samples)
    return jnp.transpose(idxs)


def _fps_kernel(xt_ref, center_ref, dists_ref):
    _, B, N = xt_ref.shape
    G = center_ref.shape[2]
    x = xt_ref[0]
    y = xt_ref[1]
    z = xt_ref[2]
    dists_ref[...] = jnp.full((B, N), 1e10, jnp.float32)
    iota_n = jax.lax.broadcasted_iota(jnp.int32, (B, N), 1)
    iota_g = jax.lax.broadcasted_iota(jnp.int32, (B, G), 1)

    def body(t, far):
        oh = iota_n == far
        cx = jnp.sum(jnp.where(oh, x, 0.0), axis=1, keepdims=True)
        cy = jnp.sum(jnp.where(oh, y, 0.0), axis=1, keepdims=True)
        cz = jnp.sum(jnp.where(oh, z, 0.0), axis=1, keepdims=True)
        ohg = iota_g == t
        center_ref[0] = jnp.where(ohg, cx, center_ref[0])
        center_ref[1] = jnp.where(ohg, cy, center_ref[1])
        center_ref[2] = jnp.where(ohg, cz, center_ref[2])
        dx = x - cx
        dy = y - cy
        dz = z - cz
        d = dx * dx + dy * dy + dz * dz
        nd = jnp.minimum(dists_ref[...], d)
        dists_ref[...] = nd
        m = jnp.max(nd, axis=1, keepdims=True)
        far2 = jnp.min(jnp.where(nd == m, iota_n, N), axis=1, keepdims=True)
        return far2

    far0 = jnp.zeros((B, 1), jnp.int32)
    jax.lax.fori_loop(0, G, body, far0)


def _fps_centers(xyz, n_samples, interpret=False):
    B, N, _ = xyz.shape
    xt = jnp.transpose(xyz, (2, 0, 1))
    center3 = pl.pallas_call(
        _fps_kernel,
        out_shape=jax.ShapeDtypeStruct((3, B, n_samples), jnp.float32),
        scratch_shapes=[pltpu.VMEM((B, N), jnp.float32)],
        interpret=interpret,
    )(xt)
    return jnp.transpose(center3, (1, 2, 0))


def _index_points(points, idx):
    return jax.vmap(lambda p, i: p[i])(points, idx)


def _square_distance(src, dst):
    d = -2.0 * jnp.einsum('bsc,bnc->bsn', src, dst)
    d = d + jnp.sum(src ** 2, -1)[:, :, None]
    d = d + jnp.sum(dst ** 2, -1)[:, None, :]
    return d


def _conv1(x, W, b):
    return jnp.einsum('oi,bik->bok', W, x) + b[None, :, None]


def _batchnorm(x, gamma, beta, eps=1e-5):
    mean = jnp.mean(x, axis=(0, 2), keepdims=True)
    var = jnp.var(x, axis=(0, 2), keepdims=True)
    xn = (x - mean) / jnp.sqrt(var + eps)
    return gamma[None, :, None] * xn + beta[None, :, None]


def _sub_kernel(nb_ref, c_ref, o_ref):
    o_ref[...] = nb_ref[...] - c_ref[...]


def _encoder(neighborhood, W1, b1, g1, be1, W2, b2, W3, b3, g3, be3, W4, b4):
    bs, g, n, _ = neighborhood.shape
    pg = neighborhood.reshape(bs * g, n, IN_CH).transpose(0, 2, 1)
    f = _conv1(pg, W1, b1)
    f = jax.nn.relu(_batchnorm(f, g1, be1))
    f = _conv1(f, W2, b2)
    fg = jnp.max(f, axis=2, keepdims=True)
    f = jnp.concatenate([jnp.broadcast_to(fg, (bs * g, 256, n)), f], axis=1)
    f = _conv1(f, W3, b3)
    f = jax.nn.relu(_batchnorm(f, g3, be3))
    f = _conv1(f, W4, b4)
    fg = jnp.max(f, axis=2)
    return fg.reshape(bs, g, ENC_CH)


def kernel(xyz, W1, b1, g1, be1, W2, b2, W3, b3, g3, be3, W4, b4):
    B, N, _ = xyz.shape
    center = _fps_centers(xyz, NUM_GROUP)
    dist = _square_distance(center, xyz)
    _, idx = jax.lax.top_k(-dist, GROUP_SIZE)
    neighborhood = _index_points(xyz, idx)
    nb_flat = neighborhood.reshape(B * NUM_GROUP, GROUP_SIZE * 3)
    c_flat = jnp.tile(center.reshape(B * NUM_GROUP, 3), (1, GROUP_SIZE))
    nb_flat = pl.pallas_call(
        _sub_kernel,
        out_shape=jax.ShapeDtypeStruct((B * NUM_GROUP, GROUP_SIZE * 3), jnp.float32),
    )(nb_flat, c_flat)
    neighborhood = nb_flat.reshape(B, NUM_GROUP, GROUP_SIZE, 3)
    tokens = _encoder(neighborhood, W1, b1, g1, be1, W2, b2, W3, b3, g3, be3, W4, b4)
    return tokens

# --- scband reference (transcript-rebuilt; emitter-appended) ---
"""Pipeline reference for scband-mamba-mesh-17678085390974 (READ-ONLY COPY).

The authoritative reference and input builder live on the scoring server;
editing this copy changes nothing except your own understanding.
"""

import jax, jax.numpy as jnp
import numpy as np

NUM_GROUP = 512
GROUP_SIZE = 32
IN_CH = 3
ENC_CH = 384

def fps(xyz, n_samples):
    B, N, _ = xyz.shape
    dists0 = jnp.full((B, N), 1e10, dtype=xyz.dtype)
    far0 = jnp.zeros((B,), dtype=jnp.int32)
    def step(carry, _):
        dists, farthest = carry
        centroid = jnp.take_along_axis(xyz, farthest[:, None, None].astype(jnp.int32), axis=1)
        d = jnp.sum((xyz - centroid) ** 2, axis=-1)
        dists = jnp.minimum(dists, d)
        nxt = jnp.argmax(dists, axis=1).astype(jnp.int32)
        return (dists, nxt), farthest
    (_, _), idxs = jax.lax.scan(step, (dists0, far0), None, length=n_samples)
    return jnp.transpose(idxs)  # [B, n_samples]

def index_points(points, idx):
    # points [B, N, C], idx [B, ...] -> [B, ..., C]
    return jax.vmap(lambda p, i: p[i])(points, idx)

def square_distance(src, dst):
    # src [B, S, C], dst [B, N, C] -> [B, S, N]
    d = -2.0 * jnp.einsum('bsc,bnc->bsn', src, dst)
    d = d + jnp.sum(src ** 2, -1)[:, :, None]
    d = d + jnp.sum(dst ** 2, -1)[:, None, :]
    return d

def conv1(x, W, b):
    # 1x1 Conv1d: x [B, Cin, K], W [Cout, Cin], b [Cout]
    return jnp.einsum('oi,bik->bok', W, x) + b[None, :, None]

def batchnorm(x, gamma, beta, eps=1e-5):
    mean = jnp.mean(x, axis=(0, 2), keepdims=True)
    var = jnp.var(x, axis=(0, 2), keepdims=True)
    xn = (x - mean) / jnp.sqrt(var + eps)
    return gamma[None, :, None] * xn + beta[None, :, None]

def setup_inputs(seed: int = 0) -> dict:
    key = jax.random.key(seed)
    ks = jax.random.split(key, 16)
    xyz = jax.random.normal(ks[0], (8, 8192, 3), dtype=jnp.float32)
    p = lambda k, shape: (jax.random.normal(k, shape, dtype=jnp.float32) * 0.02)
    return {
        'xyz': xyz,
        'W1': p(ks[1], (128, IN_CH)), 'b1': jnp.zeros((128,), jnp.float32),
        'g1': jnp.ones((128,), jnp.float32), 'be1': jnp.zeros((128,), jnp.float32),
        'W2': p(ks[2], (256, 128)), 'b2': jnp.zeros((256,), jnp.float32),
        'W3': p(ks[3], (512, 512)), 'b3': jnp.zeros((512,), jnp.float32),
        'g3': jnp.ones((512,), jnp.float32), 'be3': jnp.zeros((512,), jnp.float32),
        'W4': p(ks[4], (ENC_CH, 512)), 'b4': jnp.zeros((ENC_CH,), jnp.float32),
    }

def encoder(neighborhood, W1, b1, g1, be1, W2, b2, W3, b3, g3, be3, W4, b4):
    bs, g, n, _ = neighborhood.shape
    pg = neighborhood.reshape(bs * g, n, IN_CH).transpose(0, 2, 1)  # [BG, 3, K]
    f = conv1(pg, W1, b1)
    f = jax.nn.relu(batchnorm(f, g1, be1))
    f = conv1(f, W2, b2)  # [BG, 256, K]
    fg = jnp.max(f, axis=2, keepdims=True)
    f = jnp.concatenate([jnp.broadcast_to(fg, (bs * g, 256, n)), f], axis=1)  # [BG, 512, K]
    f = conv1(f, W3, b3)
    f = jax.nn.relu(batchnorm(f, g3, be3))
    f = conv1(f, W4, b4)  # [BG, ENC_CH, K]
    fg = jnp.max(f, axis=2)
    return fg.reshape(bs, g, ENC_CH)

def reference(xyz, W1, b1, g1, be1, W2, b2, W3, b3, g3, be3, W4, b4):
    # Group: FPS sampling of centers + neighborhood grouping (KNN stand-in for the
    # data-dependent random walk), then per-group Encoder -> group tokens.
    c_idx = fps(xyz, NUM_GROUP)                 # [B, G]
    center = index_points(xyz, c_idx)            # [B, G, 3]
    dist = square_distance(center, xyz)          # [B, G, N]
    _, idx = jax.lax.top_k(-dist, GROUP_SIZE)    # [B, G, K]
    neighborhood = index_points(xyz, idx)        # [B, G, K, 3]
    neighborhood = neighborhood - center[:, :, None, :]
    tokens = encoder(neighborhood, W1, b1, g1, be1, W2, b2, W3, b3, g3, be3, W4, b4)
    return tokens  # [B, G, ENC_CH]

if __name__ == "__main__":
    import jax
    _d = setup_inputs()
    print(jax.jit(kernel)(*tuple(_d.values())))

</pallas_src>

<mosaic_0001>
module attributes {stable_mosaic.version = 14 : i64} {
  func.func @_fps_kernel(%arg0: memref<3x8x8192xf32, #tpu.memory_space<vmem>>, %arg1: memref<3x8x512xf32, #tpu.memory_space<vmem>>, %arg2: memref<8x8192xf32, #tpu.memory_space<vmem>>) attributes {dimension_semantics = [], scalar_prefetch = 0 : i64, scratch_operands = 1 : i64, tpu.core_type = #tpu.core_type<tc>} {
    %get3A = arith.constant 0 : index
    %get3A_0 = arith.constant 0 : index
    %get3A_1 = arith.constant 0 : index
    %get3A_2 = vector.load %arg0[%get3A, %get3A_0, %get3A_1] : memref<3x8x8192xf32, #tpu.memory_space<vmem>>, vector<1x8x8192xf32>
    %get3A_3 = vector.shape_cast %get3A_2 : vector<1x8x8192xf32> to vector<8x8192xf32>
    %get3A_4 = arith.constant 1 : index
    %get3A_5 = arith.constant 0 : index
    %get3A_6 = arith.constant 0 : index
    %get3A_7 = vector.load %arg0[%get3A_4, %get3A_5, %get3A_6] : memref<3x8x8192xf32, #tpu.memory_space<vmem>>, vector<1x8x8192xf32>
    %get3A_8 = vector.shape_cast %get3A_7 : vector<1x8x8192xf32> to vector<8x8192xf32>
    %get3A_9 = arith.constant 2 : index
    %get3A_10 = arith.constant 0 : index
    %get3A_11 = arith.constant 0 : index
    %get3A_12 = vector.load %arg0[%get3A_9, %get3A_10, %get3A_11] : memref<3x8x8192xf32, #tpu.memory_space<vmem>>, vector<1x8x8192xf32>
    %get3A_13 = vector.shape_cast %get3A_12 : vector<1x8x8192xf32> to vector<8x8192xf32>
    %broadcast_in_dim3A = arith.constant 1.000000e+10 : f32
    %broadcast_in_dim3A_14 = vector.broadcast %broadcast_in_dim3A : f32 to vector<8x8192xf32>
    %swap3A = arith.constant 0 : index
    %swap3A_15 = arith.constant 0 : index
    %swap3A_16 = vector.load %arg2[%swap3A, %swap3A_15] : memref<8x8192xf32, #tpu.memory_space<vmem>>, vector<8x8192xf32>
    tpu.vector_store %arg2[%swap3A, %swap3A_15], %broadcast_in_dim3A_14 {strides = array<i32>} : memref<8x8192xf32, #tpu.memory_space<vmem>>, vector<8x8192xf32>,
    %iota3A = tpu.iota {dimensions = array<i32: 1>} : vector<8x8192xi32>
    %iota3A_17 = tpu.iota {dimensions = array<i32: 1>} : vector<8x512xi32>
    %broadcast_in_dim3A_18 = arith.constant 0 : i32
    %broadcast_in_dim3A_19 = vector.broadcast %broadcast_in_dim3A_18 : i32 to vector<8x1xi32>
    %scan3A = arith.constant 0 : i32
    %scan3A_20 = arith.constant 512 : i32
    %scan3A_21 = arith.addi %scan3A, %scan3A_20 : i32
    %scan3A_22 = arith.constant 1 : i32
    %scan3A_23 = scf.for %scan3A_25 = %scan3A to %scan3A_21 step %scan3A_22 iter_args(%scan3A_26 = %broadcast_in_dim3A_19) -> (vector<8x1xi32>)  : i32 {
      %eq3A = vector.broadcast %scan3A_26 : vector<8x1xi32> to vector<8x8192xi32>
      %eq3A_27 = arith.cmpi eq, %iota3A, %eq3A : vector<8x8192xi32>
      %jit3A = arith.constant 0.000000e+00 : f32
      %broadcast_in_dim3A_28 = vector.broadcast %jit3A : f32 to vector<8x8192xf32>
      %select_n3A = arith.select %eq3A_27, %get3A_3, %broadcast_in_dim3A_28 : vector<8x8192xi1>, vector<8x8192xf32>
      %reduce_sum3A = arith.constant dense<0.000000e+00> : vector<8xf32>
      %reduce_sum3A_29 = vector.multi_reduction <add>, %select_n3A, %reduce_sum3A [1] : vector<8x8192xf32> to vector<8xf32>
      %broadcast_in_dim3A_30 = vector.shape_cast %reduce_sum3A_29 : vector<8xf32> to vector<8x1xf32>
      %jit3A_31 = arith.constant 0.000000e+00 : f32
      %broadcast_in_dim3A_32 = vector.broadcast %jit3A_31 : f32 to vector<8x8192xf32>
      %select_n3A_33 = arith.select %eq3A_27, %get3A_8, %broadcast_in_dim3A_32 : vector<8x8192xi1>, vector<8x8192xf32>
      %reduce_sum3A_34 = arith.constant dense<0.000000e+00> : vector<8xf32>
      %reduce_sum3A_35 = vector.multi_reduction <add>, %select_n3A_33, %reduce_sum3A_34 [1] : vector<8x8192xf32> to vector<8xf32>
      %broadcast_in_dim3A_36 = vector.shape_cast %reduce_sum3A_35 : vector<8xf32> to vector<8x1xf32>
      %jit3A_37 = arith.constant 0.000000e+00 : f32
      %broadcast_in_dim3A_38 = vector.broadcast %jit3A_37 : f32 to vector<8x8192xf32>
      %select_n3A_39 = arith.select %eq3A_27, %get3A_13, %broadcast_in_dim3A_38 : vector<8x8192xi1>, vector<8x8192xf32>
      %reduce_sum3A_40 = arith.constant dense<0.000000e+00> : vector<8xf32>
      %reduce_sum3A_41 = vector.multi_reduction <add>, %select_n3A_39, %reduce_sum3A_40 [1] : vector<8x8192xf32> to vector<8xf32>
      %broadcast_in_dim3A_42 = vector.shape_cast %reduce_sum3A_41 : vector<8xf32> to vector<8x1xf32>
      %eq3A_43 = vector.broadcast %scan3A_25 : i32 to vector<8x512xi32>
      %eq3A_44 = arith.cmpi eq, %iota3A_17, %eq3A_43 : vector<8x512xi32>
      %get3A_45 = arith.constant 0 : index
      %get3A_46 = arith.constant 0 : index
      %get3A_47 = arith.constant 0 : index
      %get3A_48 = vector.load %arg1[%get3A_45, %get3A_46, %get3A_47] : memref<3x8x512xf32, #tpu.memory_space<vmem>>, vector<1x8x512xf32>
      %get3A_49 = vector.shape_cast %get3A_48 : vector<1x8x512xf32> to vector<8x512xf32>
      %broadcast_in_dim3A_50 = vector.shape_cast %broadcast_in_dim3A_30 : vector<8x1xf32> to vector<8x1xf32>
      %broadcast_in_dim3A_51 = vector.broadcast %broadcast_in_dim3A_50 : vector<8x1xf32> to vector<8x512xf32>
      %select_n3A_52 = arith.select %eq3A_44, %broadcast_in_dim3A_51, %get3A_49 : vector<8x512xi1>, vector<8x512xf32>
      %swap3A_53 = arith.constant 0 : index
      %swap3A_54 = arith.constant 0 : index
      %swap3A_55 = arith.constant 0 : index
      %swap3A_56 = vector.load %arg1[%swap3A_53, %swap3A_54, %swap3A_55] : memref<3x8x512xf32, #tpu.memory_space<vmem>>, vector<1x8x512xf32>
      %swap3A_57 = vector.shape_cast %swap3A_56 : vector<1x8x512xf32> to vector<8x512xf32>
      %swap3A_58 = vector.shape_cast %select_n3A_52 : vector<8x512xf32> to vector<1x8x512xf32>
      tpu.vector_store %arg1[%swap3A_53, %swap3A_54, %swap3A_55], %swap3A_58 {strides = array<i32>} : memref<3x8x512xf32, #tpu.memory_space<vmem>>, vector<1x8x512xf32>,
      %get3A_59 = arith.constant 1 : index
      %get3A_60 = arith.constant 0 : index
      %get3A_61 = arith.constant 0 : index
      %get3A_62 = vector.load %arg1[%get3A_59, %get3A_60, %get3A_61] : memref<3x8x512xf32, #tpu.memory_space<vmem>>, vector<1x8x512xf32>
      %get3A_63 = vector.shape_cast %get3A_62 : vector<1x8x512xf32> to vector<8x512xf32>
      %broadcast_in_dim3A_64 = vector.shape_cast %broadcast_in_dim3A_36 : vector<8x1xf32> to vector<8x1xf32>
      %broadcast_in_dim3A_65 = vector.broadcast %broadcast_in_dim3A_64 : vector<8x1xf32> to vector<8x512xf32>
      %select_n3A_66 = arith.select %eq3A_44, %broadcast_in_dim3A_65, %get3A_63 : vector<8x512xi1>, vector<8x512xf32>
      %swap3A_67 = arith.constant 1 : index
      %swap3A_68 = arith.constant 0 : index
      %swap3A_69 = arith.constant 0 : index
      %swap3A_70 = vector.load %arg1[%swap3A_67, %swap3A_68, %swap3A_69] : memref<3x8x512xf32, #tpu.memory_space<vmem>>, vector<1x8x512xf32>
      %swap3A_71 = vector.shape_cast %swap3A_70 : vector<1x8x512xf32> to vector<8x512xf32>
      %swap3A_72 = vector.shape_cast %select_n3A_66 : vector<8x512xf32> to vector<1x8x512xf32>
      tpu.vector_store %arg1[%swap3A_67, %swap3A_68, %swap3A_69], %swap3A_72 {strides = array<i32>} : memref<3x8x512xf32, #tpu.memory_space<vmem>>, vector<1x8x512xf32>,
      %get3A_73 = arith.constant 2 : index
      %get3A_74 = arith.constant 0 : index
      %get3A_75 = arith.constant 0 : index
      %get3A_76 = vector.load %arg1[%get3A_73, %get3A_74, %get3A_75] : memref<3x8x512xf32, #tpu.memory_space<vmem>>, vector<1x8x512xf32>
      %get3A_77 = vector.shape_cast %get3A_76 : vector<1x8x512xf32> to vector<8x512xf32>
      %broadcast_in_dim3A_78 = vector.shape_cast %broadcast_in_dim3A_42 : vector<8x1xf32> to vector<8x1xf32>
      %broadcast_in_dim3A_79 = vector.broadcast %broadcast_in_dim3A_78 : vector<8x1xf32> to vector<8x512xf32>
      %select_n3A_80 = arith.select %eq3A_44, %broadcast_in_dim3A_79, %get3A_77 : vector<8x512xi1>, vector<8x512xf32>
      %swap3A_81 = arith.constant 2 : index
      %swap3A_82 = arith.constant 0 : index
      %swap3A_83 = arith.constant 0 : index
      %swap3A_84 = vector.load %arg1[%swap3A_81, %swap3A_82, %swap3A_83] : memref<3x8x512xf32, #tpu.memory_space<vmem>>, vector<1x8x512xf32>
      %swap3A_85 = vector.shape_cast %swap3A_84 : vector<1x8x512xf32> to vector<8x512xf32>
      %swap3A_86 = vector.shape_cast %select_n3A_80 : vector<8x512xf32> to vector<1x8x512xf32>
      tpu.vector_store %arg1[%swap3A_81, %swap3A_82, %swap3A_83], %swap3A_86 {strides = array<i32>} : memref<3x8x512xf32, #tpu.memory_space<vmem>>, vector<1x8x512xf32>,
      %sub3A = vector.broadcast %broadcast_in_dim3A_30 : vector<8x1xf32> to vector<8x8192xf32>
      %sub3A_87 = arith.subf %get3A_3, %sub3A : vector<8x8192xf32>
      %sub3A_88 = vector.broadcast %broadcast_in_dim3A_36 : vector<8x1xf32> to vector<8x8192xf32>
      %sub3A_89 = arith.subf %get3A_8, %sub3A_88 : vector<8x8192xf32>
      %sub3A_90 = vector.broadcast %broadcast_in_dim3A_42 : vector<8x1xf32> to vector<8x8192xf32>
      %sub3A_91 = arith.subf %get3A_13, %sub3A_90 : vector<8x8192xf32>
      %mul3A = arith.mulf %sub3A_87, %sub3A_87 : vector<8x8192xf32>
      %mul3A_92 = arith.mulf %sub3A_89, %sub3A_89 : vector<8x8192xf32>
      %add3A = arith.addf %mul3A, %mul3A_92 : vector<8x8192xf32>
      %mul3A_93 = arith.mulf %sub3A_91, %sub3A_91 : vector<8x8192xf32>
      %add3A_94 = arith.addf %add3A, %mul3A_93 : vector<8x8192xf32>
      %get3A_95 = arith.constant 0 : index
      %get3A_96 = arith.constant 0 : index
      %get3A_97 = vector.load %arg2[%get3A_95, %get3A_96] : memref<8x8192xf32, #tpu.memory_space<vmem>>, vector<8x8192xf32>
      %min3A = arith.minimumf %get3A_97, %add3A_94 : vector<8x8192xf32>
      %swap3A_98 = arith.constant 0 : index
      %swap3A_99 = arith.constant 0 : index
      %swap3A_100 = vector.load %arg2[%swap3A_98, %swap3A_99] : memref<8x8192xf32, #tpu.memory_space<vmem>>, vector<8x8192xf32>
      tpu.vector_store %arg2[%swap3A_98, %swap3A_99], %min3A {strides = array<i32>} : memref<8x8192xf32, #tpu.memory_space<vmem>>, vector<8x8192xf32>,
      %reduce_max3A = arith.constant dense<0xFF800000> : vector<8xf32>
      %reduce_max3A_101 = vector.multi_reduction <maximumf>, %min3A, %reduce_max3A [1] : vector<8x8192xf32> to vector<8xf32>
      %broadcast_in_dim3A_102 = vector.shape_cast %reduce_max3A_101 : vector<8xf32> to vector<8x1xf32>
      %eq3A_103 = vector.broadcast %broadcast_in_dim3A_102 : vector<8x1xf32> to vector<8x8192xf32>
      %eq3A_104 = arith.cmpf oeq, %min3A, %eq3A_103 : vector<8x8192xf32>
      %jit3A_105 = arith.constant 8192 : i32
      %broadcast_in_dim3A_106 = vector.broadcast %jit3A_105 : i32 to vector<8x8192xi32>
      %select_n3A_107 = arith.select %eq3A_104, %iota3A, %broadcast_in_dim3A_106 : vector<8x8192xi1>, vector<8x8192xi32>
      %reduce_min3A = arith.constant dense<2147483647> : vector<8xi32>
      %reduce_min3A_108 = vector.multi_reduction <minsi>, %select_n3A_107, %reduce_min3A [1] : vector<8x8192xi32> to vector<8xi32>
      %broadcast_in_dim3A_109 = vector.shape_cast %reduce_min3A_108 : vector<8xi32> to vector<8x1xi32>
      scf.yield %broadcast_in_dim3A_109 : vector<8x1xi32>
    }
    %scan3A_24 = arith.constant 512 : i32
    return
  }
}

module attributes {stable_mosaic.version = 14 : i64} {
  func.func @_sub_kernel(%arg0: memref<4096x96xf32, #tpu.memory_space<vmem>>, %arg1: memref<4096x96xf32, #tpu.memory_space<vmem>>, %arg2: memref<4096x96xf32, #tpu.memory_space<vmem>>) attributes {dimension_semantics = [], scalar_prefetch = 0 : i64, scratch_operands = 0 : i64, tpu.core_type = #tpu.core_type<tc>} {
    %get3A = arith.constant 0 : index
    %get3A_0 = arith.constant 0 : index
    %get3A_1 = vector.load %arg0[%get3A, %get3A_0] : memref<4096x96xf32, #tpu.memory_space<vmem>>, vector<4096x96xf32>
    %get3A_2 = arith.constant 0 : index
    %get3A_3 = arith.constant 0 : index
    %get3A_4 = vector.load %arg1[%get3A_2, %get3A_3] : memref<4096x96xf32, #tpu.memory_space<vmem>>, vector<4096x96xf32>
    %sub3A = arith.subf %get3A_1, %get3A_4 : vector<4096x96xf32>
    %swap3A = arith.constant 0 : index
    %swap3A_5 = arith.constant 0 : index
    %swap3A_6 = vector.load %arg2[%swap3A, %swap3A_5] : memref<4096x96xf32, #tpu.memory_space<vmem>>, vector<4096x96xf32>
    tpu.vector_store %arg2[%swap3A, %swap3A_5], %sub3A {strides = array<i32>} : memref<4096x96xf32, #tpu.memory_space<vmem>>, vector<4096x96xf32>,
    return
  }
}

</mosaic_0001>

<sc_bundles>
// kernel: sparse-core-data-format-call.cloned.1.call-start
scs
called_computation_lowered:
.L_overlay_start_0:
0x0: {  	s1 =	sld [smem:$0x3FD9]  }
0x1: {  	s2 =	sld [smem:$0x3FFE];
	_ =	sdelay $0x1  }
0x2: {  	s3 =	srdreg.scid  }
0x3: {  	s0 =	sand.u32 $0x1, s3  }
0x4: {  	s17 =	sshll.u32 s0, $0xA;
	s1 =	sadd.s32 s2, s1  }
0x5: {  	s1 =	sadd.s32 s1, s17  }
0x6: {  	[smem:$0x3FBB] =	sst s1  }
0x7: {  	_ = 	snop  }
0x8: {  	(tm) =	ssettm $0x1  }
0x9: {  	s18 =	sld [smem:$0x3FFB];
	_ =	sdelay $0x3  }
0xa: {  	_ =	strace s18  }
0xb: {  	s1 =	sld [smem:$0x3FFC];
	_ =	sdelay $0x3  }
0xc: {  	_ =	strace s1  }
0xd: {  	s1 =	sld [smem:$0x3FFD];
	_ =	sdelay $0x3  }
0xe: {  	_ =	strace s1  }
0xf: {  	_ =	strace $0x8FFFFFFF  }
0x10: {  	s19 =	sld [smem:$0x3FDB];
	_ =	sdelay $0x1  }
0x11: {  	s20 =	simm.s32 $_scs_section_size  }
0x12: {  	s4 =	simm.s32 $_size__tile_overlayer_lowered;
	s5 =	simm.s32 $_tile_overlayer_lowered  }
0x13: {  	s23 =	simm.s32 $0x1BFF;
	s22 =	sshll.u32 s5, $0x1;
	s1 =	sadd.s32 s20, s19  }
0x14: {  	s6 =	simm.s32 $0x0;
	s21 =	sshll.u32 s4, $0x1;
	s4 =	sadd.s32 s22, s1  }
0x15: {  	[timem:s6], [sflag:s23] =	dma.local [hbm:s4], s21  }
0x16: {  	_ =	swait.ge [sflag:s23], s21  }
0x17: {  	s2 =	ssub.s32 $0x0, s21;
	[sflag:s23] =	ssyncset.done $0x0  }
0x18: {  	[sflag:s23] =	ssyncadd.s32 s2;
	_ =	sdelay $0x1  }
0x19: {  	s24 =	simm.s32 $0x1B8B  }
0x1a: {  	_ =	swait.ge [sflag:s24], $0x1  }
0x1b: {  	[sflag:s24] =	ssyncset.done $0x0  }
0x1c: {  	s26 =	simm.s32 $0x1B8E;
	s25 =	sld [smem:$0x3FFE];
	[sflag:s24] =	ssyncadd.s32 $0xFFFFFFFF  }
0x1d: {  	s27 =	simm.s32 $execute0_lowered;
	[smem:$0x3FD2] =	sst s26  }
0x1e: {  	s4 =	sshll.u32 s27, $0x1;
	_ =	strace $0x80000046;
	[dreg:$0x1] =	wrdreg $0xFFFFFFFF  }
0x1f: {  	s28 =	simm.s32 $_size_execute0_lowered;
	s1 =	sadd.s32 s1, s4;
	[dreg:$0x0] =	wrdreg $0x0  }
0x20: {  	s4 =	sshll.u32 s28, $0x1;
	[dreg:$0x2] =	wrdreg s1  }
0x21: {  	[dreg:$0x3] =	wrdreg s4  }
0x22: {  	[dreg:$0x4] =	wrdreg $0xC0  }
0x23: {  	_ =	task [dreg:s6], $0x5FFFF  }
0x24: {  	[dreg:$0x1] =	wrdreg $0xFFFFFFFF  }
0x25: {  	[dreg:$0x0] =	wrdreg $0x60  }
0x26: {  	[dreg:$0x2] =	wrdreg s25  }
0x27: {  	[dreg:$0x3] =	wrdreg $0x9  }
0x28: {  	_ =	task.clear_ibuf [dreg:s6], $0x4FFFF;
	_ =	strace $0x90000046  }
0x29: {  	s29 =	simm.s32 $0x9;
	_ =	strace $0x80000048  }
0x2a: {  	_ =	swait.ge [sflag:s29], $0x1  }
0x2b: {  	[sflag:s29] =	ssyncadd.s32 $0xFFFFFFFF  }
0x2c: {  	_ =	strace $0x90000048  }
0x2d: {  	_ =	sfence  }
0x2e: {  	s30 =	sld [smem:$0x0];
	_ =	sdelay $0x2  }
0x2f: {  	s31 =	sshll.u32 s3, $0xD;
	s3 =	sshrl.u32 s3, $0x2  }
0x30: {  	s2 =	sand.u32 $0x4000, s31;
	s1 =	sadd.s32 s3, s30  }
0x31: {  	s0 =	sor.u32 s2, s0;
	s1 =	sshll.u32 s1, $0x11  }
0x32: {  	s0 =	sor.u32 s1, s0  }
0x33: {  	s0 =	sadd.s32 $0x8F2B, s0  }
0x34: {  	[sflag:s0] =	ssyncadd.remote.s32 $0x1  }
0x35: {  	_ =	sfence.sel $0xFFFF  }
0x36: {  	[dreg:$0x0] =	wrdreg $0xFFFFFFFF;
	(pc) =	sbr.abs _section_cstart, $3  }
0x37: {  	[dreg:$0x1] =	wrdreg $0xFFFFFFFF  }
0x38: {  	_ =	task.clear_ibuf [dreg:s6], $0x2FFFF;
	_ =	strace $0x9FFFFFFF  }
0x39: {  	(tm) =	ssettm $0x7FFFFFFF  }
tec
execute0_lowered:
.L_overlay_start_1:
0x0: {  	(tag) =	ssettag $0x1  }
0x1: {  	s0 =	stileid.u32;
	s1 =	srdreg.scid  }
0x2: {  	s4 =	rddreg [dreg:$0x0];
	s7 =	simm.s32 $0x1;
	s31 =	simm.s32 $0x2  }
0x3: {  	s16 =	simm.s32 $0x0;
	s2 =	sshll.u32 s0, $0x4;
	s1 =	sshll.u32 s1, $0x8  }
0x4: {  	s9 =	simm.s32 $0x1000;
	s14 =	simm.s32 $0x0;
	s1 =	sor.u32 s2, s1  }
0x5: {  	s15 =	simm.s32 $0x0;
	s10 =	simm.s32 $0x0;
	s2 =	sand.u32 $0x180, s1  }
0x6: {  	s13 =	simm.s32 $0x0;
	s3 =	sadd.s32 $0x100000, s4;
	s5 =	ssub.s32 $0x200, s2  }
0x7: {  	s4 =	sadd.s32 $0x500000, s4;
	s1 =	rddreg [dreg:$0x1];
	s6 =	sand.u32 $0x180, s5  }
.Ltmp0:
0x8: {  	_ =	strace $0x80000047;
	p0 =	sne.s32 s6, $0x0;
	(pc) =	sbr.rel .LBB1_1-.Ltmp0, $4  }
0x9: {  	s11 =	smov.u32 s2;
	s8 =	sshrl.u32 s5, $0x9;
	s7 =	simm.s32 @!p0 $0x0  }
0xa: {  	s5 =	sand.u32 $0x7, s0;
	s6 =	simm.s32 $0x1;
	s7 =	sadd.s32 s7, s8  }
0xb: {  	s12 =	smov.u32 s5;
	[sflag:s6] =	ssyncpa.u1 $0x0;
	s7 =	sshll.u32 s7, $0x6  }
0xc: {  	p0 =	por $0x0, $0x0;
	[sflag:s31] =	ssyncpa.u1 $0x0;
	s8 =	sor.u32 $0x1, s7  }
.LBB1_4:
0xd: {  	v5 =	vld [tilespmem:s19+$0xFFFFFFD0]  }
0xe: {  	[tilespmem:s20+$0x2040 ss:$0x81] =	vst.msk $0xffff, v1;
	v58 =	vld [tilespmem:s19+$0xFFFFFFE0]  }
0xf: {  	[tilespmem:s20+$0x2850 ss:$0x81] =	vst.msk $0xffff, v2;
	v59 =	vld [tilespmem:s19+$0xFFFFFFF0]  }
0x10: {  	s21 =	sshra.s32 s21, $0x2;
	[tilespmem:s20+$0x3060 ss:$0x81] =	vst.msk $0xffff, v3;
	v60 =	vld [tilespmem:s19+$0x0]  }
0x11: {  	[tilespmem:s20+$0x0 ss:$0x81] =	vst.msk $0xffff, v0;
	v61 =	vld [tilespmem:s19+$0x10];
	s18 =	sadd.s32 s21, s18  }
0x12: {  	s25 =	sshll.u32 s16, $0x9;
	v62 =	vld [tilespmem:s19+$0x20];
	[tilespmem:s18+$0x3870 ss:$0x81] =	vst.msk $0xffff, v4  }
0x13: {  	s26 =	sshll.u32 s14, $0x3;
	s27 =	sshll.u32 s16, $0x7;
	v63 =	vld [tilespmem:s19+$0xFFFFFFC0];
	s30 =	sand.u32 $0x78, s14;
	[tilespmem:s18+$0x810 ss:$0x81] =	vst.msk $0xffff, v5  }
0x14: {  	s15 =	sshll.u32 s15, $0x13;
	s20 =	sand.u32 $0x3FF000, s25;
	s21 =	sand.u32 $0x3FFC00, s26;
	[tilespmem:s18+$0x1020 ss:$0x81] =	vst.msk $0xffff, v58  }
0x15: {  	s29 =	sand.u32 $0x200, s27;
	s16 =	sand.u32 $0x180, s27;
	s28 =	sadd.s32 s21, s20;
	[tilespmem:s18+$0x1830 ss:$0x81] =	vst.msk $0xffff, v59  }
0x16: {  	s31 =	sand.u32 $0x7, s14;
	s16 =	sor.u32 s30, s16;
	s19 =	sor.u32 s29, s28;
	[tilespmem:s18+$0x2040 ss:$0x81] =	vst.msk $0xffff, v60  }
0x17: {  	s15 =	sadd.s32 s4, s15;
	s16 =	sshrl.u32 s16, $0x3;
	s19 =	sshrl.u32 s19, $0x3;
	[tilespmem:s18+$0x2850 ss:$0x81] =	vst.msk $0xffff, v61  }
0x18: {  	s14 =	sshll.u32 s31, $0x12;
	s15 =	sadd.s32 s16, s15;
	[tilespmem:s18+$0x3060 ss:$0x81] =	vst.msk $0xffff, v62;
	s19 =	sand.u32 $0x7FFC0, s19  }
0x19: {  	s14 =	sor.u32 $0x400, s14;
	[tilespmem:s18+$0x0 ss:$0x81] =	vst.msk $0xffff, v63;
	s15 =	sadd.s32 s19, s15  }
0x1a: {  	[hbm4b:s15+s14] =	stream.strided.scatter [tilespmem:s17], [sflag:$0x2], $0x4000, s9, s14, $0x20;
	[tilespmem:$0x10100] =	vst v63  }
.LBB1_5:
0x1b: {  	s17 =	sadd.s32 $0x80, s10  }
0x1c: {  	s14 =	sadd.s32 $0x200, s11;
	s18 =	smov.u32 s11;
	p2 =	sgt.s32 s17, $0x1FFF  }
0x1d: {  	s18 =	smov.u32 @p2 s14  }
0x1e: {  	s20 =	smov.u32 s12;
	s14 =	sadd.s32 $0x8, s12;
	p3 =	sgt.s32 s18, $0x1FF  }
0x1f: {  	s20 =	smov.u32 @p3 s14  }
0x20: {  	s17 =	simm.s32 @p2 $0x0;
	p2 =	sgt.s32 s20, $0x7  }
0x21: {  	p1 =	slt.u32 s13, $0x2;
	s20 =	smov.u32 @p2 s5;
	p2 =	sne.s32 s13, s8  }
.Ltmp1:
0x22: {  	s19 =	simm.s32 @!p1 $0x2;
	(pc) =	sbr.rel @!p2 .LBB1_6-.Ltmp1, $4  }
0x23: {  	s16 =	smov.u32 s10;
	s15 =	smov.u32 s12;
	_ =	swait.ge @!p1 [sflag:s19], $0x4000  }
0x24: {  	p0 =	por !p0, !p0;
	[sflag:s19] =	ssyncset.done @!p1 $0x0;
	s10 =	smov.u32 s17  }
0x25: {  	s18 =	smov.u32 @p3 s2;
	s14 =	smov.u32 s11;
	[sflag:s19] =	ssyncadd.s32 @!p1 $0xFFFFC000  }
0x26: {  	s11 =	smov.u32 s18;
	s13 =	sadd.s32 $0x1, s13;
	s12 =	smov.u32 s20  }
.LBB1_1:
0x27: {  	p1 =	sge.u32 s13, s7;
	s31 =	sadd.s32 $0xFFFFFFFF, s13  }
0x28: {  	s17 =	sxor.u32 @!p1 $0xFFFFFFFF, s13;
	s18 =	sand.u32 @!p1 $0x78, s10;
	s19 =	sshll.u32 @!p1 s11, $0xD  }
0x29: {  	s20 =	sshll.u32 @!p1 s11, $0x7;
	s21 =	sshll.u32 @!p1 s10, $0x3;
	s17 =	sshll.u32 @!p1 s17, $0xE  }
0x2a: {  	s19 =	sand.u32 @!p1 $0x3F0000, s19;
	s20 =	sand.u32 @!p1 $0x380, s20;
	s17 =	sand.u32 @!p1 $0x4000, s17  }
0x2b: {  	s19 =	sadd.s32 @!p1 s19, s21;
	s21 =	sand.u32 @!p1 $0x1C00, s21;
	s18 =	sor.u32 @!p1 s20, s18  }
0x2c: {  	s20 =	sshll.u32 @!p1 s12, $0x13;
	s18 =	sor.u32 @!p1 s21, s18;
	s19 =	sshrl.u32 @!p1 s19, $0x3  }
0x2d: {  	s20 =	sadd.s32 @!p1 s3, s20;
	s21 =	sand.u32 @!p1 $0x7, s10;
	s19 =	sand.u32 @!p1 $0x7FC00, s19  }
0x2e: {  	s18 =	sshrl.u32 @!p1 s18, $0x3;
	s19 =	sadd.s32 @!p1 s19, s20;
	s20 =	sshll.u32 @!p1 s21, $0x12  }
0x2f: {  	s18 =	sadd.s32 @!p1 s18, s19;
	s19 =	sor.u32 @!p1 $0x400, s20;
	s20 =	simm.s32 @!p1 $0x10000  }
0x30: {  	[tilespmem:s17], [sflag:$0x1] =	stream.strided.gather @!p1 [hbm4b:s18+s19], $0x4000, s20, s19, $0x38;
	[tilespmem:$0x10100] =	vst v63  }
0x31: {  	p1 =	sge.u32 s31, s7  }
.Ltmp2:
0x32: {  	_ = 	snop;
	(pc) =	sbr.rel @p1 .LBB1_5-.Ltmp2, $1  }
0x33: {  	_ =	sdelay $0x3  }
0x34: {  	s17 =	simm.s32 $0x1  }
0x35: {  	_ =	swait.ge [sflag:s6], $0x4000;
	s17 =	simm.s32 @!p0 $0x0  }
0x36: {  	[sflag:s6] =	ssyncset.done $0x0;
	s18 =	sshll.u32 s17, $0xE  }
0x37: {  	[sflag:s6] =	ssyncadd.s32 $0xFFFFC000;
	s19 =	sor.u32 $0x40, s18  }
0x38: {  	s17 =	smul.u32 $0x10200, s17;
	v0 =	vld [tilespmem:s19+$0x30]  }
0x39: {  	v3 =	vld [tilespmem:s19+$0xFFFFFFD0]  }
0x3a: {  	s17 =	sshrl.u32 s17, $0x2;
	v4 =	vld [tilespmem:s19+$0xFFFFFFE0]  }
0x3b: {  	v5 =	vld [tilespmem:s19+$0xFFFFFFF0];
	s18 =	sor.u32 $0x8000, s17  }
0x3c: {  	s31 =	sand.u32 $0x1, s13;
	v1 =	vld [tilespmem:s19+$0x0];
	s20 =	sadd.s32 $0x0, s18  }
0x3d: {  	v2 =	vld [tilespmem:s19+$0x10];
	s17 =	smul.u32 $0x10200, s31;
	[tilespmem:s20+$0x3870 ss:$0x81] =	vst.msk $0xffff, v0  }
0x3e: {  	[tilespmem:s20+$0x810 ss:$0x81] =	vst.msk $0xffff, v3;
	v3 =	vld [tilespmem:s19+$0x20]  }
0x3f: {  	s17 =	sshrl.u32 s17, $0x2;
	v0 =	vld [tilespmem:s19+$0xFFFFFFC0];
	[tilespmem:s20+$0x1020 ss:$0x81] =	vst.msk $0xffff, v4;
	s19 =	sadd.s32 $0x80, s19  }
0x40: {  	s21 =	simm.s32 $0x4;
	s22 =	simm.s32 $0x8;
	s17 =	sor.u32 $0x8000, s17;
	[tilespmem:s20+$0x1830 ss:$0x81] =	vst.msk $0xffff, v5;
	v4 =	vld [tilespmem:s19+$0x30]  }
.LBB1_3:
0x41: {  	p1 =	sne.s32 s22, $0x1FC;
	v5 =	vld [tilespmem:s19+$0xFFFFFFD0];
	[tilespmem:s20+$0x2040 ss:$0x81] =	vst.msk $0xffff, v1  }
0x42: {  	v6 =	vld [tilespmem:s19+$0xFFFFFFE0];
	[tilespmem:s20+$0x2850 ss:$0x81] =	vst.msk $0xffff, v2  }
0x43: {  	s23 =	sshra.s32 s21, $0x2;
	s21 =	smov.u32 s22;
	v7 =	vld [tilespmem:s19+$0xFFFFFFF0];
	[tilespmem:s20+$0x3060 ss:$0x81] =	vst.msk $0xffff, v3  }
.Ltmp3:
0x44: {  	v1 =	vld [tilespmem:s19+$0x0];
	[tilespmem:s20+$0x0 ss:$0x81] =	vst.msk $0xffff, v0;
	s20 =	sadd.s32 s23, s18;
	(pc) =	sbr.rel @p1 .LBB1_3-.Ltmp3, $4  }
0x45: {  	v2 =	vld [tilespmem:s19+$0x10];
	[tilespmem:s20+$0x3870 ss:$0x81] =	vst.msk $0xffff, v4  }
0x46: {  	[tilespmem:s20+$0x810 ss:$0x81] =	vst.msk $0xffff, v5;
	v3 =	vld [tilespmem:s19+$0x20]  }
0x47: {  	v0 =	vld [tilespmem:s19+$0xFFFFFFC0];
	[tilespmem:s20+$0x1020 ss:$0x81] =	vst.msk $0xffff, v6;
	s19 =	sadd.s32 $0x80, s19  }
0x48: {  	s22 =	sadd.s32 $0x4, s22;
	v4 =	vld [tilespmem:s19+$0x30];
	[tilespmem:s20+$0x1830 ss:$0x81] =	vst.msk $0xffff, v7  }
.Ltmp4:
0x49: {  	_ = 	snop;
	(pc) =	sbr.rel .LBB1_4-.Ltmp4, $1  }
0x4a: {  	_ =	sdelay $0x3  }
.LBB1_6:
0x4b: {  	_ =	sfence.sel $0x180000  }
0x4c: {  	s2 =	simm.s32 $0x1;
	[bflag:$0x0] =	sbarrier.arrive $0xFFFF  }
0x4d: {  	s31 =	simm.s32 $0x2;
	[sflag:s2] =	ssyncpa.u1 $0x1  }
0x4e: {  	[sflag:s31] =	ssyncpa.u1 $0x1  }
0x4f: {  	p0 =	sne.s32 s0, $0x0;
	_ =	strace $0x90000047  }
0x50: {  	s0 =	sadd.s32 @!p0 $0x100000, s1;
	[bflag:$0x2] =	sbarrier.arrive $0xFFFF  }
0x51: {  	[sflag:s0] =	ssyncadd.tile.s32 @!p0 $0x1;
	_ =	shalt  }
.Lfunc_end1:
_tile_overlayer_lowered:
.L_overlay_start_2:
0x52: {  	(tag) =	ssettag $0x2  }
0x53: {  	s0 =	rddreg [dreg:$0x0];
	s2 =	stileid.u32  }
0x54: {  	s1 =	rddreg [dreg:$0x1];
	p0 =	sne.s32 s2, $0x0  }
0x55: {  	s3 =	rddreg [dreg:$0x2];
	[bflag:$0x3] =	sbarrier.arrive $0xFFFF;
	s2 =	simm.s32 @!p0 $0x1C01  }
0x56: {  	[timem:s3], [sflag:s2] =	dma.local @!p0 [hbm:s0], s1  }
0x57: {  	s0 =	simm.s32 @!p0 $0x1  }
0x58: {  	_ =	swait.ge @!p0 [sflag:s0], s1  }
0x59: {  	s1 =	ssub.s32 @!p0 $0x0, s1;
	[sflag:s0] =	ssyncset.done @!p0 $0x0  }
0x5a: {  	[sflag:s0] =	ssyncadd.s32 @!p0 s1  }
0x5b: {  	[bflag:$0x3] =	sbarrier.arrive $0xFFFF  }
0x5c: {  	_ =	shalt  }

</sc_bundles>
